<compile_context>
chip_gen: v7x
topology: tpu7x:2x2x1
jax: 0.10.2.dev20260603
libtpu: 0.0.44.dev20260713+nightly
codegen_flags: <defaults>
</compile_context>

<pallas_src>
import functools

import jax
import jax.numpy as jnp
from jax import lax
from jax.experimental import pallas as pl
from jax.experimental.pallas import tpu as pltpu
from jax.experimental.pallas import tpu_sc as plsc

_QLOG = 18
_Q = 1 << _QLOG
_BLK = 4096
_HI = -65536


def _build_fused(embT):
    D, V = embT.shape
    nblk = _Q // _BLK
    qoff = _Q // _BLK
    last_blk = (V + _BLK - 1) // _BLK - 1

    def _rn(y):
        return y + 0x7FFF + ((y >> 16) & 1)

    def body(xa_ref, xb_ref, xc_ref, xd_ref, o_ref):
        def pack(hi_ref, lo_ref):
            yh = _rn(lax.bitcast_convert_type(hi_ref[...].T, jnp.int32))
            yl = _rn(lax.bitcast_convert_type(lo_ref[...].T, jnp.int32))
            return (yh & _HI) | lax.shift_right_logical(yl, 16)

        o_ref[:, :D] = pack(xa_ref, xb_ref)
        o_ref[:, D:] = pack(xc_ref, xd_ref)

    specs = [
        pl.BlockSpec((D, _BLK),
                     functools.partial(
                         lambda q, i: (0, jnp.minimum(i + q * qoff, last_blk)),
                         q))
        for q in range(4)
    ]
    return pl.pallas_call(
        body,
        grid=(nblk,),
        in_specs=specs,
        out_specs=pl.BlockSpec((_BLK, 2 * D), lambda i: (i, 0)),
        out_shape=jax.ShapeDtypeStruct((_Q, 2 * D), jnp.int32),
    )(embT, embT, embT, embT)


def _make_sc_gather(D2, Btot, NC, NS):
    NW = NC * NS
    b_per_w = Btot // NW
    CH = 128
    n_ch = b_per_w // CH
    mesh = plsc.VectorSubcoreMesh(core_axis_name="c", subcore_axis_name="s")

    @functools.partial(
        pl.kernel,
        mesh=mesh,
        out_type=[
            jax.ShapeDtypeStruct((Btot, D2), jnp.int32),
            jax.ShapeDtypeStruct((Btot, D2), jnp.int32),
        ],
        scratch_types=[
            pltpu.VMEM((n_ch, CH), jnp.int32),
            pltpu.VMEM((n_ch, CH), jnp.int32),
            pltpu.VMEM((b_per_w, D2), jnp.int32),
            pltpu.SemaphoreType.DMA,
        ],
    )
    def gather_k(emb_hbm, r_hbm, i_hbm, out_r, out_i,
                 ridx, iidx, rows, sem):
        wid = lax.axis_index("s") * NC + lax.axis_index("c")
        base = wid * b_per_w
        pltpu.sync_copy(r_hbm.at[pl.ds(wid * n_ch, n_ch)], ridx)
        pltpu.sync_copy(i_hbm.at[pl.ds(wid * n_ch, n_ch)], iidx)

        def one_table(idx_ref, out_hbm):
            copies = [
                pltpu.async_copy(
                    emb_hbm.at[idx_ref.at[c]],
                    rows.at[pl.ds(c * CH, CH)], sem)
                for c in range(n_ch)
            ]
            for cp in copies:
                cp.wait()
            pltpu.sync_copy(rows, out_hbm.at[pl.ds(base, b_per_w)])

        one_table(ridx, out_r)
        one_table(iidx, out_i)

    return gather_k


def _linear_tanh(xf_r, xf_i, qr, qi, W, b2d):
    B, D2 = xf_r.shape
    D = D2 // 2
    blk = 2048

    def body(xr_ref, xi_ref, qr_ref, qi_ref, w_ref, b_ref, o_ref):
        def unpack(x_ref, q_ref):
            q = q_ref[...]
            half = jnp.where(q >= 2, x_ref[:, D:], x_ref[:, :D])
            bits = jnp.where((q & 1) != 0, half << 16, half & _HI)
            return lax.bitcast_convert_type(bits, jnp.float32)

        xr = unpack(xr_ref, qr_ref)
        xi = unpack(xi_ref, qi_ref)
        acc = lax.dot_general(xr, w_ref[:, :D], (((1,), (1,)), ((), ())),
                              preferred_element_type=jnp.float32)
        acc += lax.dot_general(xi, w_ref[:, D:], (((1,), (1,)), ((), ())),
                               preferred_element_type=jnp.float32)
        o_ref[...] = jnp.tanh(acc + b_ref[...])

    return pl.pallas_call(
        body,
        grid=(B // blk,),
        in_specs=[
            pl.BlockSpec((blk, D2), lambda i: (i, 0)),
            pl.BlockSpec((blk, D2), lambda i: (i, 0)),
            pl.BlockSpec((blk, 1), lambda i: (i, 0)),
            pl.BlockSpec((blk, 1), lambda i: (i, 0)),
            pl.BlockSpec((D, D2), lambda i: (0, 0)),
            pl.BlockSpec((1, D), lambda i: (0, 0)),
        ],
        out_specs=pl.BlockSpec((blk, D), lambda i: (i, 0)),
        out_shape=jax.ShapeDtypeStruct((B, D), jnp.float32),
    )(xf_r, xf_i, qr, qi, W, b2d)


def kernel(ratings, items, emb, W, b):
    V, D = emb.shape
    (B,) = ratings.shape
    info = plsc.get_sparse_core_info()
    gather = _make_sc_gather(2 * D, B, info.num_cores, info.num_subcores)
    fused = _build_fused(emb.T)
    r32 = ratings.astype(jnp.int32)
    i32 = items.astype(jnp.int32)
    xf_r, xf_i = gather(fused,
                        (r32 & (_Q - 1)).reshape(B // 128, 128),
                        (i32 & (_Q - 1)).reshape(B // 128, 128))
    out = _linear_tanh(xf_r, xf_i,
                       (r32 >> _QLOG).reshape(B, 1),
                       (i32 >> _QLOG).reshape(B, 1),
                       W, b[None, :])
    return out[None]

# --- scband reference (transcript-rebuilt; emitter-appended) ---
"""Pipeline reference for scband-item-encoder-55448027791547 (READ-ONLY COPY).

The authoritative reference and input builder live on the scoring server;
editing this copy changes nothing except your own understanding.
"""

import jax, jax.numpy as jnp
import numpy as np

VOCAB = 1000000
H = 64
B = 16384

def setup_inputs(seed: int = 0) -> dict:
    key = jax.random.key(seed)
    k1, k2, k3, k4, k5 = jax.random.split(key, 5)
    ratings = jax.random.randint(k1, (B,), 0, VOCAB)
    items = jax.random.randint(k2, (B,), 0, VOCAB)
    emb = jax.random.normal(k3, (VOCAB, H), dtype=jnp.float32) * 0.02
    # torch nn.Linear weight layout: [out_features, in_features] = [H, 2H]
    W = jax.random.normal(k4, (H, 2 * H), dtype=jnp.float32) * 0.05
    b = jax.random.normal(k5, (H,), dtype=jnp.float32) * 0.01
    return {"ratings": ratings, "items": items, "emb": emb, "W": W, "b": b}

def reference(ratings, items, emb, W, b):
    # rate_embed = self.embedding(ratings)
    rate_embed = jnp.take(emb, ratings, axis=0)
    # item_embed = self.embedding(items)
    item_embed = jnp.take(emb, items, axis=0)
    # context = torch.cat((rate_embed, item_embed), 1)
    context = jnp.concatenate((rate_embed, item_embed), axis=1)
    # hidden = torch.tanh(self.linear(context))
    hidden = jnp.tanh(context @ W.T + b)
    # hidden.unsqueeze_(0)
    hidden = hidden[None, ...]
    # original returns (None, hidden); we return the single tensor output
    return hidden

if __name__ == "__main__":
    import jax
    _d = setup_inputs()
    print(jax.jit(kernel)(*tuple(_d.values())))

</pallas_src>

<mosaic_0001>
#map = affine_map<(d0, d1) -> (0, 0)>
module attributes {stable_mosaic.version = 14 : i64} {
  func.func @gather_k(%arg0: i32, %arg1: i32, %arg2: memref<262144x128xi32, #tpu.memory_space<hbm>>, %arg3: memref<128x128xi32, #tpu.memory_space<hbm>>, %arg4: memref<128x128xi32, #tpu.memory_space<hbm>>, %arg5: memref<16384x128xi32, #tpu.memory_space<hbm>>, %arg6: memref<16384x128xi32, #tpu.memory_space<hbm>>, %arg7: memref<4x128xi32, #tpu.memory_space<vmem>>, %arg8: memref<4x128xi32, #tpu.memory_space<vmem>>, %arg9: memref<512x128xi32, #tpu.memory_space<vmem>>, %arg10: memref<!tpu.dma_semaphore, #tpu.memory_space<semaphore_mem>>) attributes {dimension_semantics = [#tpu.dimension_semantics<core_parallel>, #tpu.dimension_semantics<subcore_parallel>], iteration_bounds = array<i64: 2, 16>, scalar_prefetch = 0 : i64, scratch_operands = 4 : i64, tpu.core_type = #tpu.core_type<sc_vector_subcore>, window_params = [{transform_indices = #map}, {transform_indices = #map}, {transform_indices = #map}, {transform_indices = #map}, {transform_indices = #map}]} {
    %mul3A = arith.constant 2 : i32
    %mul3A_0 = arith.muli %arg1, %mul3A : i32
    %add3A = arith.addi %mul3A_0, %arg0 : i32
    %mul3A_1 = arith.constant 512 : i32
    %mul3A_2 = arith.muli %add3A, %mul3A_1 : i32
    %mul3A_3 = arith.constant 4 : i32
    %mul3A_4 = arith.muli %add3A, %mul3A_3 : i32
    "tpu.region"() ({
      %run_scoped3A = tpu.sem_alloc : memref<!tpu.dma_semaphore, #tpu.memory_space<semaphore_mem>>
      %dma_start3A_165 = arith.constant 0 : i32
      %dma_start3A_166 = tpu.memref_slice %arg3[%mul3A_4, %dma_start3A_165] : memref<128x128xi32, #tpu.memory_space<hbm>> -> memref<4x128xi32, #tpu.memory_space<hbm>>
      %dma_start3A_167 = arith.constant 0 : i32
      %dma_start3A_168 = tpu.memref_slice %arg3[%mul3A_4, %dma_start3A_167] : memref<128x128xi32, #tpu.memory_space<hbm>> -> memref<4x128xi32, #tpu.memory_space<hbm>>
      tpu.enqueue_dma source(%dma_start3A_168 : memref<4x128xi32, #tpu.memory_space<hbm>>) target(%arg7 : memref<4x128xi32, #tpu.memory_space<vmem>>) target_semaphore(%run_scoped3A : memref<!tpu.dma_semaphore, #tpu.memory_space<semaphore_mem>>)
      %dma_wait3A_169 = arith.constant 0 : i32
      %dma_wait3A_170 = tpu.memref_slice %arg3[%mul3A_4, %dma_wait3A_169] : memref<128x128xi32, #tpu.memory_space<hbm>> -> memref<4x128xi32, #tpu.memory_space<hbm>>
      %dma_wait3A_171 = arith.constant 0 : i32
      %dma_wait3A_172 = tpu.memref_slice %arg3[%mul3A_4, %dma_wait3A_171] : memref<128x128xi32, #tpu.memory_space<hbm>> -> memref<4x128xi32, #tpu.memory_space<hbm>>
      tpu.wait_dma2 semaphore(%run_scoped3A : memref<!tpu.dma_semaphore, #tpu.memory_space<semaphore_mem>>) src(%dma_wait3A_172 : memref<4x128xi32, #tpu.memory_space<hbm>>) dst(%arg7 : memref<4x128xi32, #tpu.memory_space<vmem>>)
      tpu.yield
    }) : () -> ()
    %mul3A_5 = arith.constant 4 : i32
    %mul3A_6 = arith.muli %add3A, %mul3A_5 : i32
    "tpu.region"() ({
      %run_scoped3A = tpu.sem_alloc : memref<!tpu.dma_semaphore, #tpu.memory_space<semaphore_mem>>
      %dma_start3A_165 = arith.constant 0 : i32
      %dma_start3A_166 = tpu.memref_slice %arg4[%mul3A_6, %dma_start3A_165] : memref<128x128xi32, #tpu.memory_space<hbm>> -> memref<4x128xi32, #tpu.memory_space<hbm>>
      %dma_start3A_167 = arith.constant 0 : i32
      %dma_start3A_168 = tpu.memref_slice %arg4[%mul3A_6, %dma_start3A_167] : memref<128x128xi32, #tpu.memory_space<hbm>> -> memref<4x128xi32, #tpu.memory_space<hbm>>
      tpu.enqueue_dma source(%dma_start3A_168 : memref<4x128xi32, #tpu.memory_space<hbm>>) target(%arg8 : memref<4x128xi32, #tpu.memory_space<vmem>>) target_semaphore(%run_scoped3A : memref<!tpu.dma_semaphore, #tpu.memory_space<semaphore_mem>>)
      %dma_wait3A_169 = arith.constant 0 : i32
      %dma_wait3A_170 = tpu.memref_slice %arg4[%mul3A_6, %dma_wait3A_169] : memref<128x128xi32, #tpu.memory_space<hbm>> -> memref<4x128xi32, #tpu.memory_space<hbm>>
      %dma_wait3A_171 = arith.constant 0 : i32
      %dma_wait3A_172 = tpu.memref_slice %arg4[%mul3A_6, %dma_wait3A_171] : memref<128x128xi32, #tpu.memory_space<hbm>> -> memref<4x128xi32, #tpu.memory_space<hbm>>
      tpu.wait_dma2 semaphore(%run_scoped3A : memref<!tpu.dma_semaphore, #tpu.memory_space<semaphore_mem>>) src(%dma_wait3A_172 : memref<4x128xi32, #tpu.memory_space<hbm>>) dst(%arg8 : memref<4x128xi32, #tpu.memory_space<vmem>>)
      tpu.yield
    }) : () -> ()
    %dma_start3A = arith.constant 0 : i32
    %dma_start3A_7 = arith.constant 0 : i32
    %dma_start3A_8 = arith.constant 0 : i32
    %dma_start3A_9 = tpu.memref_slice %arg9[%dma_start3A_7, %dma_start3A_8] : memref<512x128xi32, #tpu.memory_space<vmem>> -> memref<128x128xi32, #tpu.memory_space<vmem>>
    %dma_start3A_10 = arith.constant 0 : i32
    %dma_start3A_11 = tpu.memref_slice %arg7[%dma_start3A, %dma_start3A_10] : memref<4x128xi32, #tpu.memory_space<vmem>> -> memref<1x128xi32, #tpu.memory_space<vmem>>
    %dma_start3A_12 = tpu.memref_squeeze %dma_start3A_11 : memref<1x128xi32, #tpu.memory_space<vmem>> -> memref<128xi32, #tpu.memory_space<vmem>>
    %dma_start3A_13 = arith.constant 0 : i32
    %dma_start3A_14 = arith.constant 0 : i32
    %dma_start3A_15 = tpu.memref_slice %arg2[%dma_start3A_13, %dma_start3A_14] : memref<262144x128xi32, #tpu.memory_space<hbm>> -> memref<262144x128xi32, #tpu.memory_space<hbm>>
    tpu.enqueue_indirect_dma source(%dma_start3A_15 : memref<262144x128xi32, #tpu.memory_space<hbm>>) target(%dma_start3A_9 : memref<128x128xi32, #tpu.memory_space<vmem>>) offsets(%dma_start3A_12 : memref<128xi32, #tpu.memory_space<vmem>>) semaphore(%arg10 : memref<!tpu.dma_semaphore, #tpu.memory_space<semaphore_mem>>)
    %dma_start3A_16 = arith.constant 1 : i32
    %dma_start3A_17 = arith.constant 128 : i32
    %dma_start3A_18 = arith.constant 0 : i32
    %dma_start3A_19 = tpu.memref_slice %arg9[%dma_start3A_17, %dma_start3A_18] : memref<512x128xi32, #tpu.memory_space<vmem>> -> memref<128x128xi32, #tpu.memory_space<vmem>>
    %dma_start3A_20 = arith.constant 0 : i32
    %dma_start3A_21 = tpu.memref_slice %arg7[%dma_start3A_16, %dma_start3A_20] : memref<4x128xi32, #tpu.memory_space<vmem>> -> memref<1x128xi32, #tpu.memory_space<vmem>>
    %dma_start3A_22 = tpu.memref_squeeze %dma_start3A_21 : memref<1x128xi32, #tpu.memory_space<vmem>> -> memref<128xi32, #tpu.memory_space<vmem>>
    %dma_start3A_23 = arith.constant 0 : i32
    %dma_start3A_24 = arith.constant 0 : i32
    %dma_start3A_25 = tpu.memref_slice %arg2[%dma_start3A_23, %dma_start3A_24] : memref<262144x128xi32, #tpu.memory_space<hbm>> -> memref<262144x128xi32, #tpu.memory_space<hbm>>
    tpu.enqueue_indirect_dma source(%dma_start3A_25 : memref<262144x128xi32, #tpu.memory_space<hbm>>) target(%dma_start3A_19 : memref<128x128xi32, #tpu.memory_space<vmem>>) offsets(%dma_start3A_22 : memref<128xi32, #tpu.memory_space<vmem>>) semaphore(%arg10 : memref<!tpu.dma_semaphore, #tpu.memory_space<semaphore_mem>>)
    %dma_start3A_26 = arith.constant 2 : i32
    %dma_start3A_27 = arith.constant 256 : i32
    %dma_start3A_28 = arith.constant 0 : i32
    %dma_start3A_29 = tpu.memref_slice %arg9[%dma_start3A_27, %dma_start3A_28] : memref<512x128xi32, #tpu.memory_space<vmem>> -> memref<128x128xi32, #tpu.memory_space<vmem>>
    %dma_start3A_30 = arith.constant 0 : i32
    %dma_start3A_31 = tpu.memref_slice %arg7[%dma_start3A_26, %dma_start3A_30] : memref<4x128xi32, #tpu.memory_space<vmem>> -> memref<1x128xi32, #tpu.memory_space<vmem>>
    %dma_start3A_32 = tpu.memref_squeeze %dma_start3A_31 : memref<1x128xi32, #tpu.memory_space<vmem>> -> memref<128xi32, #tpu.memory_space<vmem>>
    %dma_start3A_33 = arith.constant 0 : i32
    %dma_start3A_34 = arith.constant 0 : i32
    %dma_start3A_35 = tpu.memref_slice %arg2[%dma_start3A_33, %dma_start3A_34] : memref<262144x128xi32, #tpu.memory_space<hbm>> -> memref<262144x128xi32, #tpu.memory_space<hbm>>
    tpu.enqueue_indirect_dma source(%dma_start3A_35 : memref<262144x128xi32, #tpu.memory_space<hbm>>) target(%dma_start3A_29 : memref<128x128xi32, #tpu.memory_space<vmem>>) offsets(%dma_start3A_32 : memref<128xi32, #tpu.memory_space<vmem>>) semaphore(%arg10 : memref<!tpu.dma_semaphore, #tpu.memory_space<semaphore_mem>>)
    %dma_start3A_36 = arith.constant 3 : i32
    %dma_start3A_37 = arith.constant 384 : i32
    %dma_start3A_38 = arith.constant 0 : i32
    %dma_start3A_39 = tpu.memref_slice %arg9[%dma_start3A_37, %dma_start3A_38] : memref<512x128xi32, #tpu.memory_space<vmem>> -> memref<128x128xi32, #tpu.memory_space<vmem>>
    %dma_start3A_40 = arith.constant 0 : i32
    %dma_start3A_41 = tpu.memref_slice %arg7[%dma_start3A_36, %dma_start3A_40] : memref<4x128xi32, #tpu.memory_space<vmem>> -> memref<1x128xi32, #tpu.memory_space<vmem>>
    %dma_start3A_42 = tpu.memref_squeeze %dma_start3A_41 : memref<1x128xi32, #tpu.memory_space<vmem>> -> memref<128xi32, #tpu.memory_space<vmem>>
    %dma_start3A_43 = arith.constant 0 : i32
    %dma_start3A_44 = arith.constant 0 : i32
    %dma_start3A_45 = tpu.memref_slice %arg2[%dma_start3A_43, %dma_start3A_44] : memref<262144x128xi32, #tpu.memory_space<hbm>> -> memref<262144x128xi32, #tpu.memory_space<hbm>>
    tpu.enqueue_indirect_dma source(%dma_start3A_45 : memref<262144x128xi32, #tpu.memory_space<hbm>>) target(%dma_start3A_39 : memref<128x128xi32, #tpu.memory_space<vmem>>) offsets(%dma_start3A_42 : memref<128xi32, #tpu.memory_space<vmem>>) semaphore(%arg10 : memref<!tpu.dma_semaphore, #tpu.memory_space<semaphore_mem>>)
    %dma_wait3A = arith.constant 0 : i32
    %dma_wait3A_46 = arith.constant 0 : i32
    %dma_wait3A_47 = arith.constant 0 : i32
    %dma_wait3A_48 = tpu.memref_slice %arg9[%dma_wait3A_46, %dma_wait3A_47] : memref<512x128xi32, #tpu.memory_space<vmem>> -> memref<128x128xi32, #tpu.memory_space<vmem>>
    %dma_wait3A_49 = arith.constant 0 : i32
    %dma_wait3A_50 = tpu.memref_slice %arg7[%dma_wait3A, %dma_wait3A_49] : memref<4x128xi32, #tpu.memory_space<vmem>> -> memref<1x128xi32, #tpu.memory_space<vmem>>
    %dma_wait3A_51 = tpu.memref_squeeze %dma_wait3A_50 : memref<1x128xi32, #tpu.memory_space<vmem>> -> memref<128xi32, #tpu.memory_space<vmem>>
    %dma_wait3A_52 = arith.constant 0 : i32
    %dma_wait3A_53 = arith.constant 0 : i32
    %dma_wait3A_54 = tpu.memref_slice %arg2[%dma_wait3A_52, %dma_wait3A_53] : memref<262144x128xi32, #tpu.memory_space<hbm>> -> memref<262144x128xi32, #tpu.memory_space<hbm>>
    tpu.wait_indirect_dma semaphore(%arg10 : memref<!tpu.dma_semaphore, #tpu.memory_space<semaphore_mem>>) src(%dma_wait3A_54 : memref<262144x128xi32, #tpu.memory_space<hbm>>) dst(%dma_wait3A_48 : memref<128x128xi32, #tpu.memory_space<vmem>>)
    %dma_wait3A_55 = arith.constant 1 : i32
    %dma_wait3A_56 = arith.constant 128 : i32
    %dma_wait3A_57 = arith.constant 0 : i32
    %dma_wait3A_58 = tpu.memref_slice %arg9[%dma_wait3A_56, %dma_wait3A_57] : memref<512x128xi32, #tpu.memory_space<vmem>> -> memref<128x128xi32, #tpu.memory_space<vmem>>
    %dma_wait3A_59 = arith.constant 0 : i32
    %dma_wait3A_60 = tpu.memref_slice %arg7[%dma_wait3A_55, %dma_wait3A_59] : memref<4x128xi32, #tpu.memory_space<vmem>> -> memref<1x128xi32, #tpu.memory_space<vmem>>
    %dma_wait3A_61 = tpu.memref_squeeze %dma_wait3A_60 : memref<1x128xi32, #tpu.memory_space<vmem>> -> memref<128xi32, #tpu.memory_space<vmem>>
    %dma_wait3A_62 = arith.constant 0 : i32
    %dma_wait3A_63 = arith.constant 0 : i32
    %dma_wait3A_64 = tpu.memref_slice %arg2[%dma_wait3A_62, %dma_wait3A_63] : memref<262144x128xi32, #tpu.memory_space<hbm>> -> memref<262144x128xi32, #tpu.memory_space<hbm>>
    tpu.wait_indirect_dma semaphore(%arg10 : memref<!tpu.dma_semaphore, #tpu.memory_space<semaphore_mem>>) src(%dma_wait3A_64 : memref<262144x128xi32, #tpu.memory_space<hbm>>) dst(%dma_wait3A_58 : memref<128x128xi32, #tpu.memory_space<vmem>>)
    %dma_wait3A_65 = arith.constant 2 : i32
    %dma_wait3A_66 = arith.constant 256 : i32
    %dma_wait3A_67 = arith.constant 0 : i32
    %dma_wait3A_68 = tpu.memref_slice %arg9[%dma_wait3A_66, %dma_wait3A_67] : memref<512x128xi32, #tpu.memory_space<vmem>> -> memref<128x128xi32, #tpu.memory_space<vmem>>
    %dma_wait3A_69 = arith.constant 0 : i32
    %dma_wait3A_70 = tpu.memref_slice %arg7[%dma_wait3A_65, %dma_wait3A_69] : memref<4x128xi32, #tpu.memory_space<vmem>> -> memref<1x128xi32, #tpu.memory_space<vmem>>
    %dma_wait3A_71 = tpu.memref_squeeze %dma_wait3A_70 : memref<1x128xi32, #tpu.memory_space<vmem>> -> memref<128xi32, #tpu.memory_space<vmem>>
    %dma_wait3A_72 = arith.constant 0 : i32
    %dma_wait3A_73 = arith.constant 0 : i32
    %dma_wait3A_74 = tpu.memref_slice %arg2[%dma_wait3A_72, %dma_wait3A_73] : memref<262144x128xi32, #tpu.memory_space<hbm>> -> memref<262144x128xi32, #tpu.memory_space<hbm>>
    tpu.wait_indirect_dma semaphore(%arg10 : memref<!tpu.dma_semaphore, #tpu.memory_space<semaphore_mem>>) src(%dma_wait3A_74 : memref<262144x128xi32, #tpu.memory_space<hbm>>) dst(%dma_wait3A_68 : memref<128x128xi32, #tpu.memory_space<vmem>>)
    %dma_wait3A_75 = arith.constant 3 : i32
    %dma_wait3A_76 = arith.constant 384 : i32
    %dma_wait3A_77 = arith.constant 0 : i32
    %dma_wait3A_78 = tpu.memref_slice %arg9[%dma_wait3A_76, %dma_wait3A_77] : memref<512x128xi32, #tpu.memory_space<vmem>> -> memref<128x128xi32, #tpu.memory_space<vmem>>
    %dma_wait3A_79 = arith.constant 0 : i32
    %dma_wait3A_80 = tpu.memref_slice %arg7[%dma_wait3A_75, %dma_wait3A_79] : memref<4x128xi32, #tpu.memory_space<vmem>> -> memref<1x128xi32, #tpu.memory_space<vmem>>
    %dma_wait3A_81 = tpu.memref_squeeze %dma_wait3A_80 : memref<1x128xi32, #tpu.memory_space<vmem>> -> memref<128xi32, #tpu.memory_space<vmem>>
    %dma_wait3A_82 = arith.constant 0 : i32
    %dma_wait3A_83 = arith.constant 0 : i32
    %dma_wait3A_84 = tpu.memref_slice %arg2[%dma_wait3A_82, %dma_wait3A_83] : memref<262144x128xi32, #tpu.memory_space<hbm>> -> memref<262144x128xi32, #tpu.memory_space<hbm>>
    tpu.wait_indirect_dma semaphore(%arg10 : memref<!tpu.dma_semaphore, #tpu.memory_space<semaphore_mem>>) src(%dma_wait3A_84 : memref<262144x128xi32, #tpu.memory_space<hbm>>) dst(%dma_wait3A_78 : memref<128x128xi32, #tpu.memory_space<vmem>>)
    "tpu.region"() ({
      %run_scoped3A = tpu.sem_alloc : memref<!tpu.dma_semaphore, #tpu.memory_space<semaphore_mem>>
      %dma_start3A_165 = arith.constant 0 : i32
      %dma_start3A_166 = tpu.memref_slice %arg5[%mul3A_2, %dma_start3A_165] : memref<16384x128xi32, #tpu.memory_space<hbm>> -> memref<512x128xi32, #tpu.memory_space<hbm>>
      %dma_start3A_167 = arith.constant 0 : i32
      %dma_start3A_168 = tpu.memref_slice %arg5[%mul3A_2, %dma_start3A_167] : memref<16384x128xi32, #tpu.memory_space<hbm>> -> memref<512x128xi32, #tpu.memory_space<hbm>>
      tpu.enqueue_dma source(%arg9 : memref<512x128xi32, #tpu.memory_space<vmem>>) target(%dma_start3A_168 : memref<512x128xi32, #tpu.memory_space<hbm>>) target_semaphore(%run_scoped3A : memref<!tpu.dma_semaphore, #tpu.memory_space<semaphore_mem>>)
      %dma_wait3A_169 = arith.constant 0 : i32
      %dma_wait3A_170 = tpu.memref_slice %arg5[%mul3A_2, %dma_wait3A_169] : memref<16384x128xi32, #tpu.memory_space<hbm>> -> memref<512x128xi32, #tpu.memory_space<hbm>>
      %dma_wait3A_171 = arith.constant 0 : i32
      %dma_wait3A_172 = tpu.memref_slice %arg5[%mul3A_2, %dma_wait3A_171] : memref<16384x128xi32, #tpu.memory_space<hbm>> -> memref<512x128xi32, #tpu.memory_space<hbm>>
      tpu.wait_dma2 semaphore(%run_scoped3A : memref<!tpu.dma_semaphore, #tpu.memory_space<semaphore_mem>>) src(%arg9 : memref<512x128xi32, #tpu.memory_space<vmem>>) dst(%dma_wait3A_172 : memref<512x128xi32, #tpu.memory_space<hbm>>)
      tpu.yield
    }) : () -> ()
    %dma_start3A_85 = arith.constant 0 : i32
    %dma_start3A_86 = arith.constant 0 : i32
    %dma_start3A_87 = arith.constant 0 : i32
    %dma_start3A_88 = tpu.memref_slice %arg9[%dma_start3A_86, %dma_start3A_87] : memref<512x128xi32, #tpu.memory_space<vmem>> -> memref<128x128xi32, #tpu.memory_space<vmem>>
    %dma_start3A_89 = arith.constant 0 : i32
    %dma_start3A_90 = tpu.memref_slice %arg8[%dma_start3A_85, %dma_start3A_89] : memref<4x128xi32, #tpu.memory_space<vmem>> -> memref<1x128xi32, #tpu.memory_space<vmem>>
    %dma_start3A_91 = tpu.memref_squeeze %dma_start3A_90 : memref<1x128xi32, #tpu.memory_space<vmem>> -> memref<128xi32, #tpu.memory_space<vmem>>
    %dma_start3A_92 = arith.constant 0 : i32
    %dma_start3A_93 = arith.constant 0 : i32
    %dma_start3A_94 = tpu.memref_slice %arg2[%dma_start3A_92, %dma_start3A_93] : memref<262144x128xi32, #tpu.memory_space<hbm>> -> memref<262144x128xi32, #tpu.memory_space<hbm>>
    tpu.enqueue_indirect_dma source(%dma_start3A_94 : memref<262144x128xi32, #tpu.memory_space<hbm>>) target(%dma_start3A_88 : memref<128x128xi32, #tpu.memory_space<vmem>>) offsets(%dma_start3A_91 : memref<128xi32, #tpu.memory_space<vmem>>) semaphore(%arg10 : memref<!tpu.dma_semaphore, #tpu.memory_space<semaphore_mem>>)
    %dma_start3A_95 = arith.constant 1 : i32
    %dma_start3A_96 = arith.constant 128 : i32
    %dma_start3A_97 = arith.constant 0 : i32
    %dma_start3A_98 = tpu.memref_slice %arg9[%dma_start3A_96, %dma_start3A_97] : memref<512x128xi32, #tpu.memory_space<vmem>> -> memref<128x128xi32, #tpu.memory_space<vmem>>
    %dma_start3A_99 = arith.constant 0 : i32
    %dma_start3A_100 = tpu.memref_slice %arg8[%dma_start3A_95, %dma_start3A_99] : memref<4x128xi32, #tpu.memory_space<vmem>> -> memref<1x128xi32, #tpu.memory_space<vmem>>
    %dma_start3A_101 = tpu.memref_squeeze %dma_start3A_100 : memref<1x128xi32, #tpu.memory_space<vmem>> -> memref<128xi32, #tpu.memory_space<vmem>>
    %dma_start3A_102 = arith.constant 0 : i32
    %dma_start3A_103 = arith.constant 0 : i32
    %dma_start3A_104 = tpu.memref_slice %arg2[%dma_start3A_102, %dma_start3A_103] : memref<262144x128xi32, #tpu.memory_space<hbm>> -> memref<262144x128xi32, #tpu.memory_space<hbm>>
    tpu.enqueue_indirect_dma source(%dma_start3A_104 : memref<262144x128xi32, #tpu.memory_space<hbm>>) target(%dma_start3A_98 : memref<128x128xi32, #tpu.memory_space<vmem>>) offsets(%dma_start3A_101 : memref<128xi32, #tpu.memory_space<vmem>>) semaphore(%arg10 : memref<!tpu.dma_semaphore, #tpu.memory_space<semaphore_mem>>)
    %dma_start3A_105 = arith.constant 2 : i32
    %dma_start3A_106 = arith.constant 256 : i32
    %dma_start3A_107 = arith.constant 0 : i32
    %dma_start3A_108 = tpu.memref_slice %arg9[%dma_start3A_106, %dma_start3A_107] : memref<512x128xi32, #tpu.memory_space<vmem>> -> memref<128x128xi32, #tpu.memory_space<vmem>>
    %dma_start3A_109 = arith.constant 0 : i32
    %dma_start3A_110 = tpu.memref_slice %arg8[%dma_start3A_105, %dma_start3A_109] : memref<4x128xi32, #tpu.memory_space<vmem>> -> memref<1x128xi32, #tpu.memory_space<vmem>>
    %dma_start3A_111 = tpu.memref_squeeze %dma_start3A_110 : memref<1x128xi32, #tpu.memory_space<vmem>> -> memref<128xi32, #tpu.memory_space<vmem>>
    %dma_start3A_112 = arith.constant 0 : i32
    %dma_start3A_113 = arith.constant 0 : i32
    %dma_start3A_114 = tpu.memref_slice %arg2[%dma_start3A_112, %dma_start3A_113] : memref<262144x128xi32, #tpu.memory_space<hbm>> -> memref<262144x128xi32, #tpu.memory_space<hbm>>
    tpu.enqueue_indirect_dma source(%dma_start3A_114 : memref<262144x128xi32, #tpu.memory_space<hbm>>) target(%dma_start3A_108 : memref<128x128xi32, #tpu.memory_space<vmem>>) offsets(%dma_start3A_111 : memref<128xi32, #tpu.memory_space<vmem>>) semaphore(%arg10 : memref<!tpu.dma_semaphore, #tpu.memory_space<semaphore_mem>>)
    %dma_start3A_115 = arith.constant 3 : i32
    %dma_start3A_116 = arith.constant 384 : i32
    %dma_start3A_117 = arith.constant 0 : i32
    %dma_start3A_118 = tpu.memref_slice %arg9[%dma_start3A_116, %dma_start3A_117] : memref<512x128xi32, #tpu.memory_space<vmem>> -> memref<128x128xi32, #tpu.memory_space<vmem>>
    %dma_start3A_119 = arith.constant 0 : i32
    %dma_start3A_120 = tpu.memref_slice %arg8[%dma_start3A_115, %dma_start3A_119] : memref<4x128xi32, #tpu.memory_space<vmem>> -> memref<1x128xi32, #tpu.memory_space<vmem>>
    %dma_start3A_121 = tpu.memref_squeeze %dma_start3A_120 : memref<1x128xi32, #tpu.memory_space<vmem>> -> memref<128xi32, #tpu.memory_space<vmem>>
    %dma_start3A_122 = arith.constant 0 : i32
    %dma_start3A_123 = arith.constant 0 : i32
    %dma_start3A_124 = tpu.memref_slice %arg2[%dma_start3A_122, %dma_start3A_123] : memref<262144x128xi32, #tpu.memory_space<hbm>> -> memref<262144x128xi32, #tpu.memory_space<hbm>>
    tpu.enqueue_indirect_dma source(%dma_start3A_124 : memref<262144x128xi32, #tpu.memory_space<hbm>>) target(%dma_start3A_118 : memref<128x128xi32, #tpu.memory_space<vmem>>) offsets(%dma_start3A_121 : memref<128xi32, #tpu.memory_space<vmem>>) semaphore(%arg10 : memref<!tpu.dma_semaphore, #tpu.memory_space<semaphore_mem>>)
    %dma_wait3A_125 = arith.constant 0 : i32
    %dma_wait3A_126 = arith.constant 0 : i32
    %dma_wait3A_127 = arith.constant 0 : i32
    %dma_wait3A_128 = tpu.memref_slice %arg9[%dma_wait3A_126, %dma_wait3A_127] : memref<512x128xi32, #tpu.memory_space<vmem>> -> memref<128x128xi32, #tpu.memory_space<vmem>>
    %dma_wait3A_129 = arith.constant 0 : i32
    %dma_wait3A_130 = tpu.memref_slice %arg8[%dma_wait3A_125, %dma_wait3A_129] : memref<4x128xi32, #tpu.memory_space<vmem>> -> memref<1x128xi32, #tpu.memory_space<vmem>>
    %dma_wait3A_131 = tpu.memref_squeeze %dma_wait3A_130 : memref<1x128xi32, #tpu.memory_space<vmem>> -> memref<128xi32, #tpu.memory_space<vmem>>
    %dma_wait3A_132 = arith.constant 0 : i32
    %dma_wait3A_133 = arith.constant 0 : i32
    %dma_wait3A_134 = tpu.memref_slice %arg2[%dma_wait3A_132, %dma_wait3A_133] : memref<262144x128xi32, #tpu.memory_space<hbm>> -> memref<262144x128xi32, #tpu.memory_space<hbm>>
    tpu.wait_indirect_dma semaphore(%arg10 : memref<!tpu.dma_semaphore, #tpu.memory_space<semaphore_mem>>) src(%dma_wait3A_134 : memref<262144x128xi32, #tpu.memory_space<hbm>>) dst(%dma_wait3A_128 : memref<128x128xi32, #tpu.memory_space<vmem>>)
    %dma_wait3A_135 = arith.constant 1 : i32
    %dma_wait3A_136 = arith.constant 128 : i32
    %dma_wait3A_137 = arith.constant 0 : i32
    %dma_wait3A_138 = tpu.memref_slice %arg9[%dma_wait3A_136, %dma_wait3A_137] : memref<512x128xi32, #tpu.memory_space<vmem>> -> memref<128x128xi32, #tpu.memory_space<vmem>>
    %dma_wait3A_139 = arith.constant 0 : i32
    %dma_wait3A_140 = tpu.memref_slice %arg8[%dma_wait3A_135, %dma_wait3A_139] : memref<4x128xi32, #tpu.memory_space<vmem>> -> memref<1x128xi32, #tpu.memory_space<vmem>>
    %dma_wait3A_141 = tpu.memref_squeeze %dma_wait3A_140 : memref<1x128xi32, #tpu.memory_space<vmem>> -> memref<128xi32, #tpu.memory_space<vmem>>
    %dma_wait3A_142 = arith.constant 0 : i32
    %dma_wait3A_143 = arith.constant 0 : i32
    %dma_wait3A_144 = tpu.memref_slice %arg2[%dma_wait3A_142, %dma_wait3A_143] : memref<262144x128xi32, #tpu.memory_space<hbm>> -> memref<262144x128xi32, #tpu.memory_space<hbm>>
    tpu.wait_indirect_dma semaphore(%arg10 : memref<!tpu.dma_semaphore, #tpu.memory_space<semaphore_mem>>) src(%dma_wait3A_144 : memref<262144x128xi32, #tpu.memory_space<hbm>>) dst(%dma_wait3A_138 : memref<128x128xi32, #tpu.memory_space<vmem>>)
    %dma_wait3A_145 = arith.constant 2 : i32
    %dma_wait3A_146 = arith.constant 256 : i32
    %dma_wait3A_147 = arith.constant 0 : i32
    %dma_wait3A_148 = tpu.memref_slice %arg9[%dma_wait3A_146, %dma_wait3A_147] : memref<512x128xi32, #tpu.memory_space<vmem>> -> memref<128x128xi32, #tpu.memory_space<vmem>>
    %dma_wait3A_149 = arith.constant 0 : i32
    %dma_wait3A_150 = tpu.memref_slice %arg8[%dma_wait3A_145, %dma_wait3A_149] : memref<4x128xi32, #tpu.memory_space<vmem>> -> memref<1x128xi32, #tpu.memory_space<vmem>>
    %dma_wait3A_151 = tpu.memref_squeeze %dma_wait3A_150 : memref<1x128xi32, #tpu.memory_space<vmem>> -> memref<128xi32, #tpu.memory_space<vmem>>
    %dma_wait3A_152 = arith.constant 0 : i32
    %dma_wait3A_153 = arith.constant 0 : i32
    %dma_wait3A_154 = tpu.memref_slice %arg2[%dma_wait3A_152, %dma_wait3A_153] : memref<262144x128xi32, #tpu.memory_space<hbm>> -> memref<262144x128xi32, #tpu.memory_space<hbm>>
    tpu.wait_indirect_dma semaphore(%arg10 : memref<!tpu.dma_semaphore, #tpu.memory_space<semaphore_mem>>) src(%dma_wait3A_154 : memref<262144x128xi32, #tpu.memory_space<hbm>>) dst(%dma_wait3A_148 : memref<128x128xi32, #tpu.memory_space<vmem>>)
    %dma_wait3A_155 = arith.constant 3 : i32
    %dma_wait3A_156 = arith.constant 384 : i32
    %dma_wait3A_157 = arith.constant 0 : i32
    %dma_wait3A_158 = tpu.memref_slice %arg9[%dma_wait3A_156, %dma_wait3A_157] : memref<512x128xi32, #tpu.memory_space<vmem>> -> memref<128x128xi32, #tpu.memory_space<vmem>>
    %dma_wait3A_159 = arith.constant 0 : i32
    %dma_wait3A_160 = tpu.memref_slice %arg8[%dma_wait3A_155, %dma_wait3A_159] : memref<4x128xi32, #tpu.memory_space<vmem>> -> memref<1x128xi32, #tpu.memory_space<vmem>>
    %dma_wait3A_161 = tpu.memref_squeeze %dma_wait3A_160 : memref<1x128xi32, #tpu.memory_space<vmem>> -> memref<128xi32, #tpu.memory_space<vmem>>
    %dma_wait3A_162 = arith.constant 0 : i32
    %dma_wait3A_163 = arith.constant 0 : i32
    %dma_wait3A_164 = tpu.memref_slice %arg2[%dma_wait3A_162, %dma_wait3A_163] : memref<262144x128xi32, #tpu.memory_space<hbm>> -> memref<262144x128xi32, #tpu.memory_space<hbm>>
    tpu.wait_indirect_dma semaphore(%arg10 : memref<!tpu.dma_semaphore, #tpu.memory_space<semaphore_mem>>) src(%dma_wait3A_164 : memref<262144x128xi32, #tpu.memory_space<hbm>>) dst(%dma_wait3A_158 : memref<128x128xi32, #tpu.memory_space<vmem>>)
    "tpu.region"() ({
      %run_scoped3A = tpu.sem_alloc : memref<!tpu.dma_semaphore, #tpu.memory_space<semaphore_mem>>
      %dma_start3A_165 = arith.constant 0 : i32
      %dma_start3A_166 = tpu.memref_slice %arg6[%mul3A_2, %dma_start3A_165] : memref<16384x128xi32, #tpu.memory_space<hbm>> -> memref<512x128xi32, #tpu.memory_space<hbm>>
      %dma_start3A_167 = arith.constant 0 : i32
      %dma_start3A_168 = tpu.memref_slice %arg6[%mul3A_2, %dma_start3A_167] : memref<16384x128xi32, #tpu.memory_space<hbm>> -> memref<512x128xi32, #tpu.memory_space<hbm>>
      tpu.enqueue_dma source(%arg9 : memref<512x128xi32, #tpu.memory_space<vmem>>) target(%dma_start3A_168 : memref<512x128xi32, #tpu.memory_space<hbm>>) target_semaphore(%run_scoped3A : memref<!tpu.dma_semaphore, #tpu.memory_space<semaphore_mem>>)
      %dma_wait3A_169 = arith.constant 0 : i32
      %dma_wait3A_170 = tpu.memref_slice %arg6[%mul3A_2, %dma_wait3A_169] : memref<16384x128xi32, #tpu.memory_space<hbm>> -> memref<512x128xi32, #tpu.memory_space<hbm>>
      %dma_wait3A_171 = arith.constant 0 : i32
      %dma_wait3A_172 = tpu.memref_slice %arg6[%mul3A_2, %dma_wait3A_171] : memref<16384x128xi32, #tpu.memory_space<hbm>> -> memref<512x128xi32, #tpu.memory_space<hbm>>
      tpu.wait_dma2 semaphore(%run_scoped3A : memref<!tpu.dma_semaphore, #tpu.memory_space<semaphore_mem>>) src(%arg9 : memref<512x128xi32, #tpu.memory_space<vmem>>) dst(%dma_wait3A_172 : memref<512x128xi32, #tpu.memory_space<hbm>>)
      tpu.yield
    }) : () -> ()
    return
  }
}

module attributes {stable_mosaic.version = 14 : i64} {
  func.func @body(%arg0: i32, %arg1: memref<64x4096xf32, #tpu.memory_space<vmem>>, %arg2: memref<64x4096xf32, #tpu.memory_space<vmem>>, %arg3: memref<64x4096xf32, #tpu.memory_space<vmem>>, %arg4: memref<64x4096xf32, #tpu.memory_space<vmem>>, %arg5: memref<4096x128xi32, #tpu.memory_space<vmem>>) attributes {dimension_semantics = [#tpu.dimension_semantics<arbitrary>], iteration_bounds = array<i64: 64>, scalar_prefetch = 0 : i64, scratch_operands = 0 : i64, tpu.core_type = #tpu.core_type<tc>, window_params = [{transform_indices = @transform_0, window_bounds = array<i64: 64, 4096>}, {transform_indices = @transform_1, window_bounds = array<i64: 64, 4096>}, {transform_indices = @transform_2, window_bounds = array<i64: 64, 4096>}, {transform_indices = @transform_3, window_bounds = array<i64: 64, 4096>}, {transform_indices = @transform_4, window_bounds = array<i64: 4096, 128>}]} {
    %get3A = arith.constant 0 : index
    %get3A_0 = arith.constant 0 : index
    %get3A_1 = vector.load %arg1[%get3A, %get3A_0] : memref<64x4096xf32, #tpu.memory_space<vmem>>, vector<64x4096xf32>
    %transpose3A = tpu.transpose %get3A_1, [1, 0] : vector<64x4096xf32> -> vector<4096x64xf32>
    %bitcast_convert_type3A = tpu.bitcast %transpose3A : vector<4096x64xf32> -> vector<4096x64xi32>
    %add3A = arith.constant 32767 : i32
    %add3A_2 = vector.broadcast %add3A : i32 to vector<4096x64xi32>
    %add3A_3 = arith.addi %bitcast_convert_type3A, %add3A_2 : vector<4096x64xi32>
    %shift_right_arithmetic3A = arith.constant 16 : i32
    %shift_right_arithmetic3A_4 = vector.broadcast %shift_right_arithmetic3A : i32 to vector<4096x64xi32>
    %shift_right_arithmetic3A_5 = arith.shrsi %bitcast_convert_type3A, %shift_right_arithmetic3A_4 : vector<4096x64xi32>
    %and3A = arith.constant 1 : i32
    %and3A_6 = vector.broadcast %and3A : i32 to vector<4096x64xi32>
    %and3A_7 = arith.andi %shift_right_arithmetic3A_5, %and3A_6 : vector<4096x64xi32>
    %add3A_8 = arith.addi %add3A_3, %and3A_7 : vector<4096x64xi32>
    %get3A_9 = arith.constant 0 : index
    %get3A_10 = arith.constant 0 : index
    %get3A_11 = vector.load %arg2[%get3A_9, %get3A_10] : memref<64x4096xf32, #tpu.memory_space<vmem>>, vector<64x4096xf32>
    %transpose3A_12 = tpu.transpose %get3A_11, [1, 0] : vector<64x4096xf32> -> vector<4096x64xf32>
    %bitcast_convert_type3A_13 = tpu.bitcast %transpose3A_12 : vector<4096x64xf32> -> vector<4096x64xi32>
    %add3A_14 = arith.constant 32767 : i32
    %add3A_15 = vector.broadcast %add3A_14 : i32 to vector<4096x64xi32>
    %add3A_16 = arith.addi %bitcast_convert_type3A_13, %add3A_15 : vector<4096x64xi32>
    %shift_right_arithmetic3A_17 = arith.constant 16 : i32
    %shift_right_arithmetic3A_18 = vector.broadcast %shift_right_arithmetic3A_17 : i32 to vector<4096x64xi32>
    %shift_right_arithmetic3A_19 = arith.shrsi %bitcast_convert_type3A_13, %shift_right_arithmetic3A_18 : vector<4096x64xi32>
    %and3A_20 = arith.constant 1 : i32
    %and3A_21 = vector.broadcast %and3A_20 : i32 to vector<4096x64xi32>
    %and3A_22 = arith.andi %shift_right_arithmetic3A_19, %and3A_21 : vector<4096x64xi32>
    %add3A_23 = arith.addi %add3A_16, %and3A_22 : vector<4096x64xi32>
    %and3A_24 = arith.constant -65536 : i32
    %and3A_25 = vector.broadcast %and3A_24 : i32 to vector<4096x64xi32>
    %and3A_26 = arith.andi %add3A_8, %and3A_25 : vector<4096x64xi32>
    %shift_right_logical3A = arith.constant 16 : i32
    %shift_right_logical3A_27 = vector.broadcast %shift_right_logical3A : i32 to vector<4096x64xi32>
    %shift_right_logical3A_28 = arith.shrui %add3A_23, %shift_right_logical3A_27 : vector<4096x64xi32>
    %or3A = arith.ori %and3A_26, %shift_right_logical3A_28 : vector<4096x64xi32>
    %swap3A = arith.constant 0 : index
    %swap3A_29 = arith.constant 0 : index
    %swap3A_30 = vector.load %arg5[%swap3A, %swap3A_29] : memref<4096x128xi32, #tpu.memory_space<vmem>>, vector<4096x64xi32>
    tpu.vector_store %arg5[%swap3A, %swap3A_29], %or3A {strides = array<i32>} : memref<4096x128xi32, #tpu.memory_space<vmem>>, vector<4096x64xi32>,
    %get3A_31 = arith.constant 0 : index
    %get3A_32 = arith.constant 0 : index
    %get3A_33 = vector.load %arg3[%get3A_31, %get3A_32] : memref<64x4096xf32, #tpu.memory_space<vmem>>, vector<64x4096xf32>
    %transpose3A_34 = tpu.transpose %get3A_33, [1, 0] : vector<64x4096xf32> -> vector<4096x64xf32>
    %bitcast_convert_type3A_35 = tpu.bitcast %transpose3A_34 : vector<4096x64xf32> -> vector<4096x64xi32>
    %add3A_36 = arith.constant 32767 : i32
    %add3A_37 = vector.broadcast %add3A_36 : i32 to vector<4096x64xi32>
    %add3A_38 = arith.addi %bitcast_convert_type3A_35, %add3A_37 : vector<4096x64xi32>
    %shift_right_arithmetic3A_39 = arith.constant 16 : i32
    %shift_right_arithmetic3A_40 = vector.broadcast %shift_right_arithmetic3A_39 : i32 to vector<4096x64xi32>
    %shift_right_arithmetic3A_41 = arith.shrsi %bitcast_convert_type3A_35, %shift_right_arithmetic3A_40 : vector<4096x64xi32>
    %and3A_42 = arith.constant 1 : i32
    %and3A_43 = vector.broadcast %and3A_42 : i32 to vector<4096x64xi32>
    %and3A_44 = arith.andi %shift_right_arithmetic3A_41, %and3A_43 : vector<4096x64xi32>
    %add3A_45 = arith.addi %add3A_38, %and3A_44 : vector<4096x64xi32>
    %get3A_46 = arith.constant 0 : index
    %get3A_47 = arith.constant 0 : index
    %get3A_48 = vector.load %arg4[%get3A_46, %get3A_47] : memref<64x4096xf32, #tpu.memory_space<vmem>>, vector<64x4096xf32>
    %transpose3A_49 = tpu.transpose %get3A_48, [1, 0] : vector<64x4096xf32> -> vector<4096x64xf32>
    %bitcast_convert_type3A_50 = tpu.bitcast %transpose3A_49 : vector<4096x64xf32> -> vector<4096x64xi32>
    %add3A_51 = arith.constant 32767 : i32
    %add3A_52 = vector.broadcast %add3A_51 : i32 to vector<4096x64xi32>
    %add3A_53 = arith.addi %bitcast_convert_type3A_50, %add3A_52 : vector<4096x64xi32>
    %shift_right_arithmetic3A_54 = arith.constant 16 : i32
    %shift_right_arithmetic3A_55 = vector.broadcast %shift_right_arithmetic3A_54 : i32 to vector<4096x64xi32>
    %shift_right_arithmetic3A_56 = arith.shrsi %bitcast_convert_type3A_50, %shift_right_arithmetic3A_55 : vector<4096x64xi32>
    %and3A_57 = arith.constant 1 : i32
    %and3A_58 = vector.broadcast %and3A_57 : i32 to vector<4096x64xi32>
    %and3A_59 = arith.andi %shift_right_arithmetic3A_56, %and3A_58 : vector<4096x64xi32>
    %add3A_60 = arith.addi %add3A_53, %and3A_59 : vector<4096x64xi32>
    %and3A_61 = arith.constant -65536 : i32
    %and3A_62 = vector.broadcast %and3A_61 : i32 to vector<4096x64xi32>
    %and3A_63 = arith.andi %add3A_45, %and3A_62 : vector<4096x64xi32>
    %shift_right_logical3A_64 = arith.constant 16 : i32
    %shift_right_logical3A_65 = vector.broadcast %shift_right_logical3A_64 : i32 to vector<4096x64xi32>
    %shift_right_logical3A_66 = arith.shrui %add3A_60, %shift_right_logical3A_65 : vector<4096x64xi32>
    %or3A_67 = arith.ori %and3A_63, %shift_right_logical3A_66 : vector<4096x64xi32>
    %swap3A_68 = arith.constant 0 : index
    %swap3A_69 = arith.constant 64 : index
    %swap3A_70 = vector.load %arg5[%swap3A_68, %swap3A_69] : memref<4096x128xi32, #tpu.memory_space<vmem>>, vector<4096x64xi32>
    tpu.vector_store %arg5[%swap3A_68, %swap3A_69], %or3A_67 {strides = array<i32>} : memref<4096x128xi32, #tpu.memory_space<vmem>>, vector<4096x64xi32>,
    return
  }
  func.func @transform_0(%arg0: i32) -> (i32, i32) {
    %add3A = arith.constant 0 : i32
    %add3A_0 = arith.addi %arg0, %add3A : i32
    %min3A = arith.constant 244 : i32
    %min3A_1 = arith.minsi %add3A_0, %min3A : i32
    %c0_i32 = arith.constant 0 : i32
    %c0_i32_2 = arith.constant 0 : i32
    return %c0_i32, %min3A_1 : i32, i32
  }
  func.func @transform_1(%arg0: i32) -> (i32, i32) {
    %add3A = arith.constant 64 : i32
    %add3A_0 = arith.addi %arg0, %add3A : i32
    %min3A = arith.constant 244 : i32
    %min3A_1 = arith.minsi %add3A_0, %min3A : i32
    %c0_i32 = arith.constant 0 : i32
    %c0_i32_2 = arith.constant 0 : i32
    return %c0_i32, %min3A_1 : i32, i32
  }
  func.func @transform_2(%arg0: i32) -> (i32, i32) {
    %add3A = arith.constant 128 : i32
    %add3A_0 = arith.addi %arg0, %add3A : i32
    %min3A = arith.constant 244 : i32
    %min3A_1 = arith.minsi %add3A_0, %min3A : i32
    %c0_i32 = arith.constant 0 : i32
    %c0_i32_2 = arith.constant 0 : i32
    return %c0_i32, %min3A_1 : i32, i32
  }
  func.func @transform_3(%arg0: i32) -> (i32, i32) {
    %add3A = arith.constant 192 : i32
    %add3A_0 = arith.addi %arg0, %add3A : i32
    %min3A = arith.constant 244 : i32
    %min3A_1 = arith.minsi %add3A_0, %min3A : i32
    %c0_i32 = arith.constant 0 : i32
    %c0_i32_2 = arith.constant 0 : i32
    return %c0_i32, %min3A_1 : i32, i32
  }
  func.func @transform_4(%arg0: i32) -> (i32, i32) {
    %c0_i32 = arith.constant 0 : i32
    %c0_i32_0 = arith.constant 0 : i32
    return %arg0, %c0_i32 : i32, i32
  }
}

module attributes {stable_mosaic.version = 14 : i64} {
  func.func @body(%arg0: i32, %arg1: memref<2048x128xi32, #tpu.memory_space<vmem>>, %arg2: memref<2048x128xi32, #tpu.memory_space<vmem>>, %arg3: memref<2048x1xi32, #tpu.memory_space<vmem>>, %arg4: memref<2048x1xi32, #tpu.memory_space<vmem>>, %arg5: memref<64x128xf32, #tpu.memory_space<vmem>>, %arg6: memref<1x64xf32, #tpu.memory_space<vmem>>, %arg7: memref<2048x64xf32, #tpu.memory_space<vmem>>) attributes {dimension_semantics = [#tpu.dimension_semantics<arbitrary>], iteration_bounds = array<i64: 8>, scalar_prefetch = 0 : i64, scratch_operands = 0 : i64, tpu.core_type = #tpu.core_type<tc>, window_params = [{transform_indices = @transform_0, window_bounds = array<i64: 2048, 128>}, {transform_indices = @transform_1, window_bounds = array<i64: 2048, 128>}, {transform_indices = @transform_2, window_bounds = array<i64: 2048, 1>}, {transform_indices = @transform_3, window_bounds = array<i64: 2048, 1>}, {pipeline_mode = #tpu.pipeline_mode<synchronous>, transform_indices = @transform_4, window_bounds = array<i64: 64, 128>}, {pipeline_mode = #tpu.pipeline_mode<synchronous>, transform_indices = @transform_5, window_bounds = array<i64: 1, 64>}, {transform_indices = @transform_6, window_bounds = array<i64: 2048, 64>}]} {
    %get3A = arith.constant 0 : index
    %get3A_0 = arith.constant 0 : index
    %get3A_1 = vector.load %arg3[%get3A, %get3A_0] : memref<2048x1xi32, #tpu.memory_space<vmem>>, vector<2048x1xi32>
    %ge3A = arith.constant 2 : i32
    %ge3A_2 = vector.broadcast %ge3A : i32 to vector<2048x1xi32>
    %ge3A_3 = arith.cmpi sge, %get3A_1, %ge3A_2 : vector<2048x1xi32>
    %get3A_4 = arith.constant 0 : index
    %get3A_5 = arith.constant 64 : index
    %get3A_6 = vector.load %arg1[%get3A_4, %get3A_5] : memref<2048x128xi32, #tpu.memory_space<vmem>>, vector<2048x64xi32>
    %get3A_7 = arith.constant 0 : index
    %get3A_8 = arith.constant 0 : index
    %get3A_9 = vector.load %arg1[%get3A_7, %get3A_8] : memref<2048x128xi32, #tpu.memory_space<vmem>>, vector<2048x64xi32>
    %broadcast_in_dim3A = vector.shape_cast %ge3A_3 : vector<2048x1xi1> to vector<2048x1xi1>
    %broadcast_in_dim3A_10 = vector.broadcast %broadcast_in_dim3A : vector<2048x1xi1> to vector<2048x64xi1>
    %select_n3A = arith.select %broadcast_in_dim3A_10, %get3A_6, %get3A_9 : vector<2048x64xi1>, vector<2048x64xi32>
    %and3A = arith.constant 1 : i32
    %and3A_11 = vector.broadcast %and3A : i32 to vector<2048x1xi32>
    %and3A_12 = arith.andi %get3A_1, %and3A_11 : vector<2048x1xi32>
    %ne3A = arith.constant 0 : i32
    %ne3A_13 = vector.broadcast %ne3A : i32 to vector<2048x1xi32>
    %ne3A_14 = arith.cmpi ne, %and3A_12, %ne3A_13 : vector<2048x1xi32>
    %shift_left3A = arith.constant 16 : i32
    %shift_left3A_15 = vector.broadcast %shift_left3A : i32 to vector<2048x64xi32>
    %shift_left3A_16 = arith.shli %select_n3A, %shift_left3A_15 : vector<2048x64xi32>
    %and3A_17 = arith.constant -65536 : i32
    %and3A_18 = vector.broadcast %and3A_17 : i32 to vector<2048x64xi32>
    %and3A_19 = arith.andi %select_n3A, %and3A_18 : vector<2048x64xi32>
    %broadcast_in_dim3A_20 = vector.shape_cast %ne3A_14 : vector<2048x1xi1> to vector<2048x1xi1>
    %broadcast_in_dim3A_21 = vector.broadcast %broadcast_in_dim3A_20 : vector<2048x1xi1> to vector<2048x64xi1>
    %select_n3A_22 = arith.select %broadcast_in_dim3A_21, %shift_left3A_16, %and3A_19 : vector<2048x64xi1>, vector<2048x64xi32>
    %bitcast_convert_type3A = tpu.bitcast %select_n3A_22 : vector<2048x64xi32> -> vector<2048x64xf32>
    %get3A_23 = arith.constant 0 : index
    %get3A_24 = arith.constant 0 : index
    %get3A_25 = vector.load %arg4[%get3A_23, %get3A_24] : memref<2048x1xi32, #tpu.memory_space<vmem>>, vector<2048x1xi32>
    %ge3A_26 = arith.constant 2 : i32
    %ge3A_27 = vector.broadcast %ge3A_26 : i32 to vector<2048x1xi32>
    %ge3A_28 = arith.cmpi sge, %get3A_25, %ge3A_27 : vector<2048x1xi32>
    %get3A_29 = arith.constant 0 : index
    %get3A_30 = arith.constant 64 : index
    %get3A_31 = vector.load %arg2[%get3A_29, %get3A_30] : memref<2048x128xi32, #tpu.memory_space<vmem>>, vector<2048x64xi32>
    %get3A_32 = arith.constant 0 : index
    %get3A_33 = arith.constant 0 : index
    %get3A_34 = vector.load %arg2[%get3A_32, %get3A_33] : memref<2048x128xi32, #tpu.memory_space<vmem>>, vector<2048x64xi32>
    %broadcast_in_dim3A_35 = vector.shape_cast %ge3A_28 : vector<2048x1xi1> to vector<2048x1xi1>
    %broadcast_in_dim3A_36 = vector.broadcast %broadcast_in_dim3A_35 : vector<2048x1xi1> to vector<2048x64xi1>
    %select_n3A_37 = arith.select %broadcast_in_dim3A_36, %get3A_31, %get3A_34 : vector<2048x64xi1>, vector<2048x64xi32>
    %and3A_38 = arith.constant 1 : i32
    %and3A_39 = vector.broadcast %and3A_38 : i32 to vector<2048x1xi32>
    %and3A_40 = arith.andi %get3A_25, %and3A_39 : vector<2048x1xi32>
    %ne3A_41 = arith.constant 0 : i32
    %ne3A_42 = vector.broadcast %ne3A_41 : i32 to vector<2048x1xi32>
    %ne3A_43 = arith.cmpi ne, %and3A_40, %ne3A_42 : vector<2048x1xi32>
    %shift_left3A_44 = arith.constant 16 : i32
    %shift_left3A_45 = vector.broadcast %shift_left3A_44 : i32 to vector<2048x64xi32>
    %shift_left3A_46 = arith.shli %select_n3A_37, %shift_left3A_45 : vector<2048x64xi32>
    %and3A_47 = arith.constant -65536 : i32
    %and3A_48 = vector.broadcast %and3A_47 : i32 to vector<2048x64xi32>
    %and3A_49 = arith.andi %select_n3A_37, %and3A_48 : vector<2048x64xi32>
    %broadcast_in_dim3A_50 = vector.shape_cast %ne3A_43 : vector<2048x1xi1> to vector<2048x1xi1>
    %broadcast_in_dim3A_51 = vector.broadcast %broadcast_in_dim3A_50 : vector<2048x1xi1> to vector<2048x64xi1>
    %select_n3A_52 = arith.select %broadcast_in_dim3A_51, %shift_left3A_46, %and3A_49 : vector<2048x64xi1>, vector<2048x64xi32>
    %bitcast_convert_type3A_53 = tpu.bitcast %select_n3A_52 : vector<2048x64xi32> -> vector<2048x64xf32>
    %get3A_54 = arith.constant 0 : index
    %get3A_55 = arith.constant 0 : index
    %get3A_56 = vector.load %arg5[%get3A_54, %get3A_55] : memref<64x128xf32, #tpu.memory_space<vmem>>, vector<64x64xf32>
    %dot_general3A = arith.constant dense<0.000000e+00> : vector<2048x64xf32>
    %dot_general3A_57 = tpu.matmul %bitcast_convert_type3A, %get3A_56, %dot_general3A {dimension_numbers = #tpu.dot_dimension_numbers<[1], [1], [0], [0], [0, 0, 1, 0], [], []>, transpose_lhs_hint = false} : vector<2048x64xf32>, vector<64x64xf32>, vector<2048x64xf32> -> vector<2048x64xf32>
    %get3A_58 = arith.constant 0 : index
    %get3A_59 = arith.constant 64 : index
    %get3A_60 = vector.load %arg5[%get3A_58, %get3A_59] : memref<64x128xf32, #tpu.memory_space<vmem>>, vector<64x64xf32>
    %dot_general3A_61 = arith.constant dense<0.000000e+00> : vector<2048x64xf32>
    %dot_general3A_62 = tpu.matmul %bitcast_convert_type3A_53, %get3A_60, %dot_general3A_61 {dimension_numbers = #tpu.dot_dimension_numbers<[1], [1], [0], [0], [0, 0, 1, 0], [], []>, transpose_lhs_hint = false} : vector<2048x64xf32>, vector<64x64xf32>, vector<2048x64xf32> -> vector<2048x64xf32>
    %add3A = arith.addf %dot_general3A_57, %dot_general3A_62 : vector<2048x64xf32>
    %get3A_63 = arith.constant 0 : index
    %get3A_64 = arith.constant 0 : index
    %get3A_65 = vector.load %arg6[%get3A_63, %get3A_64] : memref<1x64xf32, #tpu.memory_space<vmem>>, vector<1x64xf32>
    %add3A_66 = vector.broadcast %get3A_65 : vector<1x64xf32> to vector<2048x64xf32>
    %add3A_67 = arith.addf %add3A, %add3A_66 : vector<2048x64xf32>
    %tanh3A = math.tanh %add3A_67 : vector<2048x64xf32>
    %swap3A = arith.constant 0 : index
    %swap3A_68 = arith.constant 0 : index
    %swap3A_69 = vector.load %arg7[%swap3A, %swap3A_68] : memref<2048x64xf32, #tpu.memory_space<vmem>>, vector<2048x64xf32>
    tpu.vector_store %arg7[%swap3A, %swap3A_68], %tanh3A {strides = array<i32>} : memref<2048x64xf32, #tpu.memory_space<vmem>>, vector<2048x64xf32>,
    return
  }
  func.func @transform_0(%arg0: i32) -> (i32, i32) {
    %c0_i32 = arith.constant 0 : i32
    %c0_i32_0 = arith.constant 0 : i32
    return %arg0, %c0_i32 : i32, i32
  }
  func.func @transform_1(%arg0: i32) -> (i32, i32) {
    %c0_i32 = arith.constant 0 : i32
    %c0_i32_0 = arith.constant 0 : i32
    return %arg0, %c0_i32 : i32, i32
  }
  func.func @transform_2(%arg0: i32) -> (i32, i32) {
    %c0_i32 = arith.constant 0 : i32
    %c0_i32_0 = arith.constant 0 : i32
    return %arg0, %c0_i32 : i32, i32
  }
  func.func @transform_3(%arg0: i32) -> (i32, i32) {
    %c0_i32 = arith.constant 0 : i32
    %c0_i32_0 = arith.constant 0 : i32
    return %arg0, %c0_i32 : i32, i32
  }
  func.func @transform_4(%arg0: i32) -> (i32, i32) {
    %c0_i32 = arith.constant 0 : i32
    %c0_i32_0 = arith.constant 0 : i32
    %c0_i32_1 = arith.constant 0 : i32
    return %c0_i32, %c0_i32_0 : i32, i32
  }
  func.func @transform_5(%arg0: i32) -> (i32, i32) {
    %c0_i32 = arith.constant 0 : i32
    %c0_i32_0 = arith.constant 0 : i32
    %c0_i32_1 = arith.constant 0 : i32
    return %c0_i32, %c0_i32_0 : i32, i32
  }
  func.func @transform_6(%arg0: i32) -> (i32, i32) {
    %c0_i32 = arith.constant 0 : i32
    %c0_i32_0 = arith.constant 0 : i32
    return %arg0, %c0_i32 : i32, i32
  }
}

</mosaic_0001>

<sc_bundles>
// kernel: kernel.5.cloned.1.call-start
scs
__scs_entry_jumppad:
0x0: {  	(pc) =	sbr.rel $0x88, $3  }
0x1: {  	(tag) =	ssettag $0x0;
	lr =	simm.s32 $0x1  }
0x2: {  	[smem:$0x3F9C] =	sst lr;
	_ =	strace $0xD0000000  }
0x3: {  	_ = 	snop  }
0x4: {  	_ = 	snop  }
0x5: {  	_ = 	snop  }
0x6: {  	_ = 	snop  }
0x7: {  	_ = 	snop  }
__scs_overlays_trampoline_lowered:
0x8: {  	[smem:$0x3FAB] =	sst s0  }
0x9: {  	[smem:$0x3FAC] =	sst s1  }
0xa: {  	[smem:$0x3FAD] =	sst s2  }
0xb: {  	[smem:$0x3FAE] =	sst s3  }
0xc: {  	[smem:$0x3FAF] =	sst s4  }
0xd: {  	[smem:$0x3FB0] =	sst s5  }
0xe: {  	[smem:$0x3FB1] =	sst s6  }
0xf: {  	[smem:$0x3FB2] =	sst s7  }
0x10: {  	[smem:$0x3FB3] =	sst s8  }
0x11: {  	[smem:$0x3FB4] =	sst s9;
	s0 =	simm.s32 @!p0 $0x0  }
0x12: {  	s1 =	sld [smem:$0x3F9A];
	s0 =	simm.s32 @p0 $0x1  }
0x13: {  	[smem:$0x3FB5] =	sst s0;
	s0 =	simm.s32 @!p1 $0x0  }
0x14: {  	s2 =	sld [smem:$0x3F99];
	s0 =	simm.s32 @p1 $0x1  }
0x15: {  	[smem:$0x3FB6] =	sst s0;
	s0 =	simm.s32 @!p2 $0x0  }
0x16: {  	s3 =	sld [smem:$0x3FDB];
	s0 =	simm.s32 @p2 $0x1  }
0x17: {  	s4 =	simm.s32 $0x1BF5;
	[smem:$0x3FB8] =	sst s0  }
0x18: {  	s0 =	sld [smem:$0x3F9B];
	_ =	swait.ge [sflag:s4], $0x0  }
0x19: {  	s7 =	sld [smem:$0x3F9C]  }
0x1a: {  	s8 =	sadd.s32 $0xFFFFE003, lr  }
0x1b: {  	s9 =	sadd.s32 $0xFFFFFEF7, lr;
	s5 =	simm.s32 $0xFFFFFFFF;
	p2 =	slt.u32 s8, $0xFFFFF086  }
0x1c: {  	p1 =	slt.u32 s9, $0xF7A;
	s5 =	simm.s32 @!p2 $0x0  }
0x1d: {  	s5 =	simm.s32 @p1 $0x1;
	p0 =	seq.s32 s7, s2  }
0x1e: {  	s7 =	smul.u32 @!p0 $0xF7A, s2;
	p2 =	seq.s32 @!p0 s5, $0x0  }
0x1f: {  	s9 =	smul.u32 $0xF7A, s1;
	s8 =	simm.s32 @!p0 $0x1BF5;
	p2 =	por !p2, p0  }
0x20: {  	[sflag:s8] =	ssyncset.s32 @!p0 $0xFFFFF086;
	s6 =	sadd.s32 @!p0 s3, s7;
	s7 =	simm.s32 @!p0 $0x108  }
0x21: {  	s3 =	sadd.s32 s3, s9;
	s6 =	sadd.s32 @!p0 $0x88, s6;
	s7 =	simm.s32 @p2 $0x1082  }
0x22: {  	[simem:s7], [sflag:s8] =	dma.local @!p0 [hbm:s6], $0xF7A  }
0x23: {  	s9 =	sor.u32 $0xD0000000, s2;
	s6 =	simm.s32 $0x108;
	_ =	swait.ge @!p0 [sflag:s8], $0x0  }
0x24: {  	s3 =	sadd.s32 $0x88, s3;
	s6 =	simm.s32 @!p1 $0x1082;
	[sflag:s4] =	ssyncset.s32 $0xFFFFF086  }
0x25: {  	[simem:s6], [sflag:s4] =	dma.local [hbm:s3], $0xF7A  }
0x26: {  	[smem:$0x3F9C] =	sst s1;
	(tag) =	ssettag s2;
	_ =	strace s9  }
0x27: {  	s1 =	sld [smem:$0x3FAC]  }
0x28: {  	s2 =	sld [smem:$0x3FAD]  }
0x29: {  	s4 =	sld [smem:$0x3FAF]  }
0x2a: {  	p0 =	seq.s32 s5, $0x0;
	s5 =	sld [smem:$0x3FB0]  }
0x2b: {  	s6 =	sld [smem:$0x3FB1]  }
0x2c: {  	s7 =	sld [smem:$0x3FB2]  }
0x2d: {  	s3 =	simm.s32 $0x108;
	s8 =	sld [smem:$0x3FB3]  }
0x2e: {  	s3 =	simm.s32 @!p0 $0x1082;
	s9 =	sld [smem:$0x3FB4]  }
0x2f: {  	lr =	sadd.s32 s0, s3;
	s0 =	sld [smem:$0x3FAB]  }
0x30: {  	s3 =	sld [smem:$0x3FAE]  }
0x31: {  	[smem:$0x3FB7] =	sst s10  }
0x32: {  	s10 =	sld [smem:$0x3FB5];
	_ =	sdelay $0x3  }
0x33: {  	p0 =	seq.s32 s10, $0x1;
	s10 =	sld [smem:$0x3FB7];
	_ =	sdelay $0x3  }
0x34: {  	[smem:$0x3FB7] =	sst s10  }
0x35: {  	s10 =	sld [smem:$0x3FB6];
	_ =	sdelay $0x3  }
0x36: {  	p1 =	seq.s32 s10, $0x1;
	s10 =	sld [smem:$0x3FB7];
	_ =	sdelay $0x3  }
0x37: {  	[smem:$0x3FB7] =	sst s10  }
0x38: {  	s10 =	sld [smem:$0x3FB8]  }
0x39: {  	_ = 	snop;
	(pc) =	sbr.ind lr, $3  }
0x3a: {  	_ = 	snop  }
0x3b: {  	_ = 	snop  }
0x3c: {  	p2 =	seq.s32 s10, $0x1;
	s10 =	sld [smem:$0x3FB7]  }
0x3d: {  	_ =	shalt  }
0x3e: {  	_ =	shalt  }
0x3f: {  	_ =	shalt  }
0x40: {  	_ =	shalt  }
0x41: {  	_ =	shalt  }
0x42: {  	_ =	shalt  }
0x43: {  	_ =	shalt  }
0x44: {  	_ =	shalt  }
0x45: {  	_ =	shalt  }
0x46: {  	_ =	shalt  }
0x47: {  	_ =	shalt  }
0x48: {  	_ =	shalt  }
0x49: {  	_ =	shalt  }
0x4a: {  	_ =	shalt  }
0x4b: {  	_ =	shalt  }
0x4c: {  	_ =	shalt  }
0x4d: {  	_ =	shalt  }
0x4e: {  	_ =	shalt  }
0x4f: {  	_ =	shalt  }
0x50: {  	_ =	shalt  }
0x51: {  	_ =	shalt  }
0x52: {  	_ =	shalt  }
0x53: {  	_ =	shalt  }
0x54: {  	_ =	shalt  }
0x55: {  	_ =	shalt  }
0x56: {  	_ =	shalt  }
0x57: {  	_ =	shalt  }
0x58: {  	_ =	shalt  }
0x59: {  	_ =	shalt  }
0x5a: {  	_ =	shalt  }
0x5b: {  	_ =	shalt  }
0x5c: {  	_ =	shalt  }
0x5d: {  	_ =	shalt  }
0x5e: {  	_ =	shalt  }
0x5f: {  	_ =	shalt  }
0x60: {  	_ =	shalt  }
0x61: {  	_ =	shalt  }
0x62: {  	_ =	shalt  }
0x63: {  	_ =	shalt  }
0x64: {  	_ =	shalt  }
0x65: {  	_ =	shalt  }
0x66: {  	_ =	shalt  }
0x67: {  	_ =	shalt  }
0x68: {  	_ =	shalt  }
0x69: {  	_ =	shalt  }
0x6a: {  	_ =	shalt  }
0x6b: {  	_ =	shalt  }
0x6c: {  	_ =	shalt  }
0x6d: {  	_ =	shalt  }
0x6e: {  	_ =	shalt  }
0x6f: {  	_ =	shalt  }
0x70: {  	_ =	shalt  }
0x71: {  	_ =	shalt  }
0x72: {  	_ =	shalt  }
0x73: {  	_ =	shalt  }
0x74: {  	_ =	shalt  }
0x75: {  	_ =	shalt  }
0x76: {  	_ =	shalt  }
0x77: {  	_ =	shalt  }
0x78: {  	_ =	shalt  }
0x79: {  	_ =	shalt  }
0x7a: {  	_ =	shalt  }
0x7b: {  	_ =	shalt  }
0x7c: {  	_ =	shalt  }
0x7d: {  	_ =	shalt  }
0x7e: {  	_ =	shalt  }
0x7f: {  	_ =	shalt  }
0x80: {  	_ =	shalt  }
0x81: {  	_ =	shalt  }
0x82: {  	_ =	shalt  }
0x83: {  	_ =	shalt  }
0x84: {  	_ =	shalt  }
0x85: {  	_ =	shalt  }
0x86: {  	_ =	shalt  }
0x87: {  	_ =	shalt  }
.Lfunc_end0:
.L_simem_size_0:
called_computation_lowered:
.L_overlay_start_0:
0x88: {  	s2 =	sld [smem:$0x3FD9]  }
0x89: {  	s3 =	sld [smem:$0x3FFE];
	_ =	sdelay $0x1  }
0x8a: {  	s1 =	srdreg.scid  }
0x8b: {  	s0 =	sand.u32 $0x1, s1  }
0x8c: {  	s17 =	sshll.u32 s0, $0xA;
	s2 =	sadd.s32 s3, s2  }
0x8d: {  	s2 =	sadd.s32 s2, s17  }
0x8e: {  	[smem:$0x3FC3] =	sst s2  }
0x8f: {  	_ = 	snop  }
0x90: {  	s2 =	sld [smem:$0x3FD0];
	(tm) =	ssettm $0x1  }
0x91: {  	s18 =	sld [smem:$0x3FFB];
	_ =	sdelay $0x3  }
0x92: {  	_ =	strace s18  }
0x93: {  	s3 =	sld [smem:$0x3FFC];
	_ =	sdelay $0x3  }
0x94: {  	_ =	strace s3  }
0x95: {  	s3 =	sld [smem:$0x3FFD];
	_ =	sdelay $0x3  }
0x96: {  	_ =	strace s3  }
0x97: {  	_ =	strace $0x8FFFFFFF  }
0x98: {  	s19 =	sld [smem:$0x3FDB];
	_ =	sdelay $0x1  }
0x99: {  	s4 =	simm.s32 $_scs_section_size  }
0x9a: {  	s5 =	simm.s32 $_size__tile_overlayer_lowered;
	s6 =	simm.s32 $_tile_overlayer_lowered  }
0x9b: {  	s22 =	simm.s32 $0x1BFF;
	s21 =	sshll.u32 s6, $0x1;
	s3 =	sadd.s32 s4, s19  }
0x9c: {  	s7 =	simm.s32 $0x0;
	s20 =	sshll.u32 s5, $0x1;
	s5 =	sadd.s32 s21, s3  }
0x9d: {  	[timem:s7], [sflag:s22] =	dma.local [hbm:s5], s20  }
0x9e: {  	_ =	swait.ge [sflag:s22], s20  }
0x9f: {  	s4 =	ssub.s32 $0x0, s20;
	[sflag:s22] =	ssyncset.done $0x0  }
0xa0: {  	[sflag:s22] =	ssyncadd.s32 s4;
	_ =	sdelay $0x1  }
0xa1: {  	s23 =	simm.s32 $0x1B8B  }
0xa2: {  	_ =	swait.ge [sflag:s23], $0x1  }
0xa3: {  	[sflag:s23] =	ssyncset.done $0x0  }
0xa4: {  	s25 =	simm.s32 $0x1B8E;
	s24 =	sld [smem:$0x3FFE];
	[sflag:s23] =	ssyncadd.s32 $0xFFFFFFFF  }
0xa5: {  	s26 =	simm.s32 $execute0_lowered;
	[smem:$0x3FD2] =	sst s25  }
0xa6: {  	s5 =	sshll.u32 s26, $0x1;
	_ =	strace $0x80000046;
	[dreg:$0x1] =	wrdreg $0xFFFFFFFF  }
0xa7: {  	s28 =	simm.s32 $_size_execute0_lowered;
	s3 =	sadd.s32 s3, s5;
	[dreg:$0x0] =	wrdreg $0x0  }
0xa8: {  	s5 =	sshll.u32 s28, $0x1;
	[dreg:$0x2] =	wrdreg s3  }
0xa9: {  	[dreg:$0x3] =	wrdreg s5  }
0xaa: {  	[dreg:$0x4] =	wrdreg $0xC0  }
0xab: {  	_ =	task [dreg:s7], $0x5FFFF  }
0xac: {  	[dreg:$0x1] =	wrdreg $0xFFFFFFFF  }
0xad: {  	[dreg:$0x0] =	wrdreg $0x60  }
0xae: {  	[dreg:$0x2] =	wrdreg s24  }
0xaf: {  	[dreg:$0x3] =	wrdreg s2  }
0xb0: {  	[dreg:$0x4] =	wrdreg $0x9  }
0xb1: {  	_ =	task.clear_ibuf [dreg:s7], $0x5FFFF;
	_ =	strace $0x90000046  }
0xb2: {  	s29 =	simm.s32 $0x9;
	_ =	strace $0x80000048  }
0xb3: {  	_ =	swait.ge [sflag:s29], $0x1  }
0xb4: {  	[sflag:s29] =	ssyncadd.s32 $0xFFFFFFFF  }
0xb5: {  	_ =	strace $0x90000048  }
0xb6: {  	_ =	sfence  }
0xb7: {  	s30 =	sld [smem:$0x0];
	_ =	sdelay $0x2  }
0xb8: {  	s31 =	sshll.u32 s1, $0xD;
	s1 =	sshrl.u32 s1, $0x2  }
0xb9: {  	s3 =	sand.u32 $0x4000, s31;
	s1 =	sadd.s32 s1, s30  }
0xba: {  	s0 =	sor.u32 s3, s0;
	s1 =	sshll.u32 s1, $0x11  }
0xbb: {  	s0 =	sor.u32 s1, s0  }
0xbc: {  	s0 =	sadd.s32 $0x8F2B, s0  }
0xbd: {  	[sflag:s0] =	ssyncadd.remote.s32 $0x1  }
0xbe: {  	_ =	sfence.sel $0xFFFF  }
0xbf: {  	[dreg:$0x0] =	wrdreg $0xFFFFFFFF;
	(pc) =	sbr.abs _section_cstart, $3  }
0xc0: {  	[dreg:$0x1] =	wrdreg $0xFFFFFFFF  }
0xc1: {  	_ =	task.clear_ibuf [dreg:s7], $0x2FFFF;
	_ =	strace $0x9FFFFFFF  }
0xc2: {  	(tm) =	ssettm $0x7FFFFFFF  }
0xc3: {  	_ =	shalt  }
tec
execute0_lowered:
.L_overlay_start_1:
0x0: {  	(tag) =	ssettag $0x1  }
0x1: {  	s1 =	srdreg.scid  }
0x2: {  	s16 =	rddreg [dreg:$0x0];
	s0 =	stileid.u32;
	s20 =	sand.u32 $0x1, s1  }
0x3: {  	s5 =	rddreg [dreg:$0x1];
	s3 =	sshll.u32 s0, $0x7;
	s4 =	sshll.u32 s20, $0x6  }
0x4: {  	s2 =	simm.s32 $0x0;
	s1 =	rddreg [dreg:$0x2];
	s6 =	sor.u32 s4, s3  }
0x5: {  	[smem:$0x7FF] =	sst s2;
	s3 =	sadd.s32 s6, s16  }
0x6: {  	_ =	strace $0x80000047;
	s4 =	sadd.s32 $0x401400, s3;
	s3 =	simm.s32 $0x2  }
0x7: {  	[tilespmem:s2], [sflag:$0x2] =	stream.linear.gather [hbm4b:s4+s2], $0x200, $0x38;
	[tilespmem:$0x10400] =	vst v63  }
0x8: {  	_ =	swait.ge [sflag:s3], $0x200  }
0x9: {  	[sflag:s3] =	ssyncset.done $0x0  }
0xa: {  	s5 =	sadd.s32 s5, s6;
	s6 =	simm.s32 $0x200;
	[sflag:s3] =	ssyncadd.s32 $0xFFFFFE00  }
0xb: {  	[tilespmem:s6], [sflag:$0x2] =	stream.linear.gather [hbm4b:s5+s2], $0x200, $0x38;
	[tilespmem:$0x10400] =	vst v63  }
0xc: {  	_ =	swait.ge [sflag:s3], $0x200  }
0xd: {  	s8 =	simm.s32 $0x80;
	[sflag:s3] =	ssyncset.done $0x0  }
0xe: {  	s9 =	simm.s32 $0x400;
	s7 =	sadd.s32 $0x1400, s16;
	[sflag:s3] =	ssyncadd.s32 $0xFFFFFE00  }
0xf: {  	[tilespmem:s9], [sflag:$0x1] =	stream.indirect.gather [hbm4b:s7+s8], $0x80, s2, s8, $0xb8;
	[tilespmem:$0x10400] =	vst v63  }
0x10: {  	s10 =	simm.s32 $0x4400  }
0x11: {  	[tilespmem:s10], [sflag:$0x1] =	stream.indirect.gather [hbm4b:s7+s8], $0x80, s8, s8, $0xb8;
	[tilespmem:$0x10400] =	vst v63  }
0x12: {  	s11 =	simm.s32 $0x100;
	s12 =	simm.s32 $0x8400  }
0x13: {  	[tilespmem:s12], [sflag:$0x1] =	stream.indirect.gather [hbm4b:s7+s8], $0x80, s11, s8, $0xb8;
	[tilespmem:$0x10400] =	vst v63  }
0x14: {  	s13 =	simm.s32 $0x180;
	s14 =	simm.s32 $0xC400;
	s15 =	simm.s32 $0x1  }
0x15: {  	[tilespmem:s14], [sflag:$0x1] =	stream.indirect.gather [hbm4b:s7+s8], $0x80, s13, s8, $0xb8;
	[tilespmem:$0x10400] =	vst v63  }
0x16: {  	_ =	swait.ge [sflag:s15], $0x4000  }
0x17: {  	[sflag:s15] =	ssyncset.done $0x0  }
0x18: {  	[sflag:s15] =	ssyncadd.s32 $0xFFFFC000  }
0x19: {  	_ =	swait.ge [sflag:s15], $0x4000  }
0x1a: {  	[sflag:s15] =	ssyncset.done $0x0  }
0x1b: {  	[sflag:s15] =	ssyncadd.s32 $0xFFFFC000  }
0x1c: {  	_ =	swait.ge [sflag:s15], $0x4000  }
0x1d: {  	[sflag:s15] =	ssyncset.done $0x0  }
0x1e: {  	s17 =	sshll.u32 s0, $0xE;
	s18 =	sshll.u32 s20, $0xD;
	[sflag:s15] =	ssyncadd.s32 $0xFFFFC000  }
0x1f: {  	s17 =	sor.u32 s18, s17;
	_ =	swait.ge [sflag:s15], $0x4000  }
0x20: {  	s21 =	sadd.s32 s17, s16;
	[sflag:s15] =	ssyncset.done $0x0  }
0x21: {  	s16 =	sadd.s32 $0x401C00, s21;
	[sflag:s15] =	ssyncadd.s32 $0xFFFFC000  }
0x22: {  	[hbm4b:s16+s2] =	stream.linear.scatter [tilespmem:s9], [sflag:$0x2], $0x10000, $0x38;
	[tilespmem:$0x10400] =	vst v63  }
0x23: {  	_ =	swait.ge [sflag:s3], $0x10000  }
0x24: {  	[sflag:s3] =	ssyncset.done $0x0  }
0x25: {  	[sflag:s3] =	ssyncadd.s32 $0xFFFF0000  }
0x26: {  	[tilespmem:s9], [sflag:$0x1] =	stream.indirect.gather [hbm4b:s7+s8], $0x80, s6, s8, $0xb8;
	[tilespmem:$0x10400] =	vst v63  }
0x27: {  	s17 =	simm.s32 $0x280  }
0x28: {  	[tilespmem:s10], [sflag:$0x1] =	stream.indirect.gather [hbm4b:s7+s8], $0x80, s17, s8, $0xb8;
	[tilespmem:$0x10400] =	vst v63  }
0x29: {  	s18 =	simm.s32 $0x300  }
0x2a: {  	[tilespmem:s12], [sflag:$0x1] =	stream.indirect.gather [hbm4b:s7+s8], $0x80, s18, s8, $0xb8;
	[tilespmem:$0x10400] =	vst v63  }
0x2b: {  	s19 =	simm.s32 $0x380  }
0x2c: {  	[tilespmem:s14], [sflag:$0x1] =	stream.indirect.gather [hbm4b:s7+s8], $0x80, s19, s8, $0xb8;
	[tilespmem:$0x10400] =	vst v63  }
0x2d: {  	_ =	swait.ge [sflag:s15], $0x4000  }
0x2e: {  	[sflag:s15] =	ssyncset.done $0x0  }
0x2f: {  	[sflag:s15] =	ssyncadd.s32 $0xFFFFC000  }
0x30: {  	_ =	swait.ge [sflag:s15], $0x4000  }
0x31: {  	[sflag:s15] =	ssyncset.done $0x0  }
0x32: {  	s20 =	ssub.s32 $0x2, s20;
	[sflag:s15] =	ssyncadd.s32 $0xFFFFC000  }
0x33: {  	s22 =	sshrl.u32 s20, $0x1;
	_ =	swait.ge [sflag:s15], $0x4000  }
0x34: {  	s22 =	ssub.s32 s20, s22;
	[sflag:s15] =	ssyncset.done $0x0  }
0x35: {  	s31 =	smax.u32 s22, $0x1;
	[sflag:s15] =	ssyncadd.s32 $0xFFFFC000  }
0x36: {  	p0 =	sne.s32 s31, $0x1;
	_ =	swait.ge [sflag:s15], $0x4000  }
.Ltmp0:
0x37: {  	[sflag:s15] =	ssyncset.done $0x0;
	(pc) =	sbr.rel @!p0 .LBB2_2-.Ltmp0, $4  }
0x38: {  	s20 =	sadd.s32 $0x441C00, s21;
	[sflag:s15] =	ssyncadd.s32 $0xFFFFC000  }
0x39: {  	[hbm4b:s20+s2] =	stream.linear.scatter [tilespmem:s9], [sflag:$0x2], $0x10000, $0x38;
	[tilespmem:$0x10400] =	vst v63  }
0x3a: {  	_ =	swait.ge [sflag:s3], $0x10000  }
0x3b: {  	s21 =	sadd.s32 $0xFFFFFFFF, s31;
	[sflag:s3] =	ssyncset.done $0x0  }
.LBB2_1:
0x3c: {  	p0 =	sne.s32 s21, $0x1;
	s21 =	sadd.s32 $0xFFFFFFFF, s21;
	[sflag:s3] =	ssyncadd.s32 $0xFFFF0000  }
0x3d: {  	[tilespmem:s2], [sflag:$0x2] =	stream.linear.gather [hbm4b:s4+s2], $0x200, $0x38;
	[tilespmem:$0x10400] =	vst v63  }
0x3e: {  	_ =	swait.ge [sflag:s3], $0x200  }
0x3f: {  	[sflag:s3] =	ssyncset.done $0x0  }
0x40: {  	[sflag:s3] =	ssyncadd.s32 $0xFFFFFE00  }
0x41: {  	[tilespmem:s6], [sflag:$0x2] =	stream.linear.gather [hbm4b:s5+s2], $0x200, $0x38;
	[tilespmem:$0x10400] =	vst v63  }
0x42: {  	_ =	swait.ge [sflag:s3], $0x200  }
0x43: {  	[sflag:s3] =	ssyncset.done $0x0  }
0x44: {  	[sflag:s3] =	ssyncadd.s32 $0xFFFFFE00  }
0x45: {  	[tilespmem:s9], [sflag:$0x1] =	stream.indirect.gather [hbm4b:s7+s8], $0x80, s2, s8, $0xb8;
	[tilespmem:$0x10400] =	vst v63  }
0x46: {  	_ = 	snop  }
0x47: {  	[tilespmem:s10], [sflag:$0x1] =	stream.indirect.gather [hbm4b:s7+s8], $0x80, s8, s8, $0xb8;
	[tilespmem:$0x10400] =	vst v63  }
0x48: {  	_ = 	snop  }
0x49: {  	[tilespmem:s12], [sflag:$0x1] =	stream.indirect.gather [hbm4b:s7+s8], $0x80, s11, s8, $0xb8;
	[tilespmem:$0x10400] =	vst v63  }
0x4a: {  	_ = 	snop  }
0x4b: {  	[tilespmem:s14], [sflag:$0x1] =	stream.indirect.gather [hbm4b:s7+s8], $0x80, s13, s8, $0xb8;
	[tilespmem:$0x10400] =	vst v63  }
0x4c: {  	_ =	swait.ge [sflag:s15], $0x4000  }
0x4d: {  	[sflag:s15] =	ssyncset.done $0x0  }
0x4e: {  	[sflag:s15] =	ssyncadd.s32 $0xFFFFC000  }
0x4f: {  	_ =	swait.ge [sflag:s15], $0x4000  }
0x50: {  	[sflag:s15] =	ssyncset.done $0x0  }
0x51: {  	[sflag:s15] =	ssyncadd.s32 $0xFFFFC000  }
0x52: {  	_ =	swait.ge [sflag:s15], $0x4000  }
0x53: {  	[sflag:s15] =	ssyncset.done $0x0  }
0x54: {  	[sflag:s15] =	ssyncadd.s32 $0xFFFFC000  }
0x55: {  	_ =	swait.ge [sflag:s15], $0x4000  }
0x56: {  	[sflag:s15] =	ssyncset.done $0x0  }
0x57: {  	[sflag:s15] =	ssyncadd.s32 $0xFFFFC000  }
0x58: {  	[hbm4b:s16+s2] =	stream.linear.scatter [tilespmem:s9], [sflag:$0x2], $0x10000, $0x38;
	[tilespmem:$0x10400] =	vst v63  }
0x59: {  	_ =	swait.ge [sflag:s3], $0x10000  }
0x5a: {  	[sflag:s3] =	ssyncset.done $0x0  }
0x5b: {  	[sflag:s3] =	ssyncadd.s32 $0xFFFF0000  }
0x5c: {  	[tilespmem:s9], [sflag:$0x1] =	stream.indirect.gather [hbm4b:s7+s8], $0x80, s6, s8, $0xb8;
	[tilespmem:$0x10400] =	vst v63  }
0x5d: {  	_ = 	snop  }
0x5e: {  	[tilespmem:s10], [sflag:$0x1] =	stream.indirect.gather [hbm4b:s7+s8], $0x80, s17, s8, $0xb8;
	[tilespmem:$0x10400] =	vst v63  }
0x5f: {  	_ = 	snop  }
0x60: {  	[tilespmem:s12], [sflag:$0x1] =	stream.indirect.gather [hbm4b:s7+s8], $0x80, s18, s8, $0xb8;
	[tilespmem:$0x10400] =	vst v63  }
0x61: {  	_ = 	snop  }
0x62: {  	[tilespmem:s14], [sflag:$0x1] =	stream.indirect.gather [hbm4b:s7+s8], $0x80, s19, s8, $0xb8;
	[tilespmem:$0x10400] =	vst v63  }
0x63: {  	_ =	swait.ge [sflag:s15], $0x4000  }
0x64: {  	[sflag:s15] =	ssyncset.done $0x0  }
0x65: {  	[sflag:s15] =	ssyncadd.s32 $0xFFFFC000  }
0x66: {  	_ =	swait.ge [sflag:s15], $0x4000  }
0x67: {  	[sflag:s15] =	ssyncset.done $0x0  }
0x68: {  	[sflag:s15] =	ssyncadd.s32 $0xFFFFC000  }
0x69: {  	_ =	swait.ge [sflag:s15], $0x4000  }
0x6a: {  	[sflag:s15] =	ssyncset.done $0x0  }
0x6b: {  	[sflag:s15] =	ssyncadd.s32 $0xFFFFC000  }
0x6c: {  	_ =	swait.ge [sflag:s15], $0x4000  }
.Ltmp1:
0x6d: {  	[sflag:s15] =	ssyncset.done $0x0;
	(pc) =	sbr.rel @p0 .LBB2_1-.Ltmp1, $4  }
0x6e: {  	[sflag:s15] =	ssyncadd.s32 $0xFFFFC000  }
0x6f: {  	[hbm4b:s20+s2] =	stream.linear.scatter [tilespmem:s9], [sflag:$0x2], $0x10000, $0x38;
	[tilespmem:$0x10400] =	vst v63  }
0x70: {  	_ =	swait.ge [sflag:s3], $0x10000  }
0x71: {  	[sflag:s3] =	ssyncset.done $0x0  }
.LBB2_2:
0x72: {  	[sflag:s3] =	ssyncadd.s32 $0xFFFF0000  }
0x73: {  	_ =	sfence.sel $0x180000  }
0x74: {  	[bflag:$0x0] =	sbarrier.arrive $0xFFFF  }
0x75: {  	p0 =	sne.s32 s0, $0x0;
	_ =	strace $0x90000047  }
0x76: {  	s0 =	sadd.s32 @!p0 $0x100000, s1;
	[bflag:$0x2] =	sbarrier.arrive $0xFFFF  }
0x77: {  	[sflag:s0] =	ssyncadd.tile.s32 @!p0 $0x1;
	_ =	shalt  }
.Lfunc_end2:
_tile_overlayer_lowered:
.L_overlay_start_2:
0x78: {  	(tag) =	ssettag $0x2  }
0x79: {  	s0 =	rddreg [dreg:$0x0];
	s2 =	stileid.u32  }
0x7a: {  	s1 =	rddreg [dreg:$0x1];
	p0 =	sne.s32 s2, $0x0  }
0x7b: {  	s3 =	rddreg [dreg:$0x2];
	[bflag:$0x3] =	sbarrier.arrive $0xFFFF;
	s2 =	simm.s32 @!p0 $0x1C02  }
0x7c: {  	[timem:s3], [sflag:s2] =	dma.local @!p0 [hbm:s0], s1  }
0x7d: {  	s0 =	simm.s32 @!p0 $0x2  }
0x7e: {  	_ =	swait.ge @!p0 [sflag:s0], s1  }
0x7f: {  	s1 =	ssub.s32 @!p0 $0x0, s1;
	[sflag:s0] =	ssyncset.done @!p0 $0x0  }
0x80: {  	[sflag:s0] =	ssyncadd.s32 @!p0 s1  }
0x81: {  	[bflag:$0x3] =	sbarrier.arrive $0xFFFF  }
0x82: {  	_ =	shalt  }

</sc_bundles>
